<compile_context>
chip_gen: v7x
topology: tpu7x:2x2x1
jax: 0.10.2.dev20260603
libtpu: 0.0.44.dev20260713+nightly
codegen_flags: <defaults>
</compile_context>

<pallas_src>
import jax
import jax.numpy as jnp
from jax import lax
from jax.experimental import pallas as pl
from jax.experimental.pallas import tpu as pltpu
from jax.experimental.pallas import tpu_sc as plsc

_NS = 601
_EPS = 0.001
_NC = 2
_NSUB = 16
_NW = _NC * _NSUB
_CH = 64
_NROWS = 4096 * 50
_RPW = _NROWS // _NW
_NCHUNK = _RPW // _CH
_CHW = _CH * _NS


def _c_kernel(x_ref, o_ref):
    x = x_ref[...]
    t = jnp.sign(x) * (jnp.sqrt(jnp.abs(x) + 1.0) - 1.0 + _EPS * x)
    o_ref[...] = jnp.clip(t + 300.0, 0.0, 599.999)


def _sc_body(c_hbm, out_hbm, cbuf, rowbuf):
    cid = lax.axis_index("c")
    sid = lax.axis_index("s")
    w = sid * _NC + cid
    base = w * _RPW

    def _zero(i, carry):
        rowbuf[pl.ds(i * 16, 16)] = jnp.zeros((16,), jnp.float32)
        return carry

    lax.fori_loop(0, _CHW // 16, _zero, 0)

    def _chunk(g, carry):
        row0 = base + g * _CH
        pltpu.sync_copy(c_hbm.at[pl.ds(row0, _CH)], cbuf)
        for sub in range(_CH // 16):
            c = cbuf[pl.ds(sub * 16, 16)]
            li = jnp.minimum(c.astype(jnp.int32), _NS - 2)
            p_low = (li + 1).astype(jnp.float32) - c
            p_high = 1.0 - p_low
            idx = (lax.iota(jnp.int32, 16) + sub * 16) * _NS + li
            plsc.store_scatter(rowbuf, [idx], p_low)
            plsc.store_scatter(rowbuf, [idx + 1], p_high)
        pltpu.sync_copy(rowbuf, out_hbm.at[pl.ds(row0 * _NS, _CHW)])
        z = jnp.zeros((16,), jnp.float32)
        for sub in range(_CH // 16):
            c = cbuf[pl.ds(sub * 16, 16)]
            li = jnp.minimum(c.astype(jnp.int32), _NS - 2)
            idx = (lax.iota(jnp.int32, 16) + sub * 16) * _NS + li
            plsc.store_scatter(rowbuf, [idx], z)
            plsc.store_scatter(rowbuf, [idx + 1], z)
        return carry

    lax.fori_loop(0, _NCHUNK, _chunk, 0)


@jax.jit
def kernel(target_value):
    b, k = target_value.shape
    c = pl.pallas_call(
        _c_kernel,
        out_shape=jax.ShapeDtypeStruct((b, k), jnp.float32),
    )(target_value)
    sc_call = pl.kernel(
        _sc_body,
        out_type=jax.ShapeDtypeStruct((_NROWS * _NS,), jnp.float32),
        mesh=plsc.VectorSubcoreMesh(core_axis_name="c", subcore_axis_name="s"),
        compiler_params=pltpu.CompilerParams(needs_layout_passes=False),
        scratch_types=[
            pltpu.VMEM((_CH,), jnp.float32),
            pltpu.VMEM((_CHW,), jnp.float32),
        ],
    )
    out_flat = sc_call(c.reshape(b * k))
    return out_flat.reshape(b, k, _NS)

# --- scband reference (transcript-rebuilt; emitter-appended) ---
"""Pipeline reference for scband-scalar-transforms-52750788329898 (READ-ONLY COPY).

The authoritative reference and input builder live on the scoring server;
editing this copy changes nothing except your own understanding.
"""

import jax, jax.numpy as jnp
import numpy as np

SUPPORTS_MIN = -300.0
SUPPORTS_MAX = 300.0
NUM_SUPPORTS = 601
EPSILON = 0.001


def setup_inputs(seed: int = 0) -> dict:
    key = jax.random.key(seed)
    target_value = jax.random.normal(key, (4096, 50), dtype=jnp.float32)
    return {"target_value": target_value}


def reference(target_value):
    supports = jnp.linspace(SUPPORTS_MIN, SUPPORTS_MAX, NUM_SUPPORTS, dtype=jnp.float32)
    # invertible transform normal -> compact
    t = jnp.sign(target_value) * (jnp.sqrt(jnp.abs(target_value) + 1.0) - 1.0 + EPSILON * target_value)
    lower_idx = jnp.searchsorted(supports, t, side='right') - 1
    lower_idx = jnp.clip(lower_idx, 0, NUM_SUPPORTS - 2)
    upper_idx = lower_idx + 1
    lower_support = supports[lower_idx]
    upper_support = supports[upper_idx]
    p_low = (upper_support - t) / (upper_support - lower_support + 1e-10)
    p_high = 1.0 - p_low
    B, K = target_value.shape
    bi = jnp.arange(B)[:, None]
    ki = jnp.arange(K)[None, :]
    support_vector = jnp.zeros((B, K, NUM_SUPPORTS), dtype=jnp.float32)
    support_vector = support_vector.at[bi, ki, lower_idx].set(p_low)
    support_vector = support_vector.at[bi, ki, upper_idx].set(p_high)
    return support_vector

if __name__ == "__main__":
    import jax
    _d = setup_inputs()
    print(jax.jit(kernel)(*tuple(_d.values())))

</pallas_src>

<mosaic_0001>
#map = affine_map<(d0, d1) -> (0)>
module attributes {stable_mosaic.version = 14 : i64} {
  func.func @_sc_body(%arg0: i32, %arg1: i32, %arg2: memref<204800xf32, #tpu.memory_space<hbm>>, %arg3: memref<123084800xf32, #tpu.memory_space<hbm>>, %arg4: memref<64xf32, #tpu.memory_space<vmem>>, %arg5: memref<38464xf32, #tpu.memory_space<vmem>>) attributes {dimension_semantics = [#tpu.dimension_semantics<core_parallel>, #tpu.dimension_semantics<subcore_parallel>], iteration_bounds = array<i64: 2, 16>, scalar_prefetch = 0 : i64, scratch_operands = 2 : i64, tpu.core_type = #tpu.core_type<sc_vector_subcore>, window_params = [{transform_indices = #map}, {transform_indices = #map}]} {
    %mul3A = arith.constant 2 : i32
    %mul3A_0 = arith.muli %arg1, %mul3A : i32
    %add3A = arith.addi %mul3A_0, %arg0 : i32
    %mul3A_1 = arith.constant 6400 : i32
    %mul3A_2 = arith.muli %add3A, %mul3A_1 : i32
    %scan3A = arith.constant 0 : i32
    %scan3A_3 = arith.constant 0 : i32
    %scan3A_4 = arith.constant 2404 : i32
    %scan3A_5 = arith.addi %scan3A_3, %scan3A_4 : i32
    %scan3A_6 = arith.constant 1 : i32
    scf.for %scan3A_14 = %scan3A_3 to %scan3A_5 step %scan3A_6  : i32 {
      %broadcast_in_dim3A = arith.constant 0.000000e+00 : f32
      %broadcast_in_dim3A_15 = vector.broadcast %broadcast_in_dim3A : f32 to vector<16xf32>
      %mul3A_16 = arith.constant 16 : i32
      %mul3A_17 = arith.muli %scan3A_14, %mul3A_16 : i32
      %swap3A = arith.index_cast %mul3A_17 : i32 to index
      %swap3A_18 = tpu.vector_load %arg5[%swap3A] {strides = array<i32>} : memref<38464xf32, #tpu.memory_space<vmem>>, vector<16xf32>,
      tpu.vector_store %arg5[%swap3A], %broadcast_in_dim3A_15 {strides = array<i32>} : memref<38464xf32, #tpu.memory_space<vmem>>, vector<16xf32>,
    }
    %scan3A_7 = arith.constant 2404 : i32
    %scan3A_8 = arith.constant 0 : i32
    %scan3A_9 = arith.constant 0 : i32
    %scan3A_10 = arith.constant 100 : i32
    %scan3A_11 = arith.addi %scan3A_9, %scan3A_10 : i32
    %scan3A_12 = arith.constant 1 : i32
    scf.for %scan3A_14 = %scan3A_9 to %scan3A_11 step %scan3A_12  : i32 {
      %mul3A_15 = arith.constant 64 : i32
      %mul3A_16 = arith.muli %scan3A_14, %mul3A_15 : i32
      %add3A_17 = arith.addi %mul3A_2, %mul3A_16 : i32
      "tpu.region"() ({
        %run_scoped3A = tpu.sem_alloc : memref<!tpu.dma_semaphore, #tpu.memory_space<semaphore_mem>>
        %dma_start3A = tpu.memref_slice %arg2[%add3A_17] : memref<204800xf32, #tpu.memory_space<hbm>> -> memref<64xf32, #tpu.memory_space<hbm>>
        %dma_start3A_184 = tpu.memref_slice %arg2[%add3A_17] : memref<204800xf32, #tpu.memory_space<hbm>> -> memref<64xf32, #tpu.memory_space<hbm>>
        tpu.enqueue_dma source(%dma_start3A_184 : memref<64xf32, #tpu.memory_space<hbm>>) target(%arg4 : memref<64xf32, #tpu.memory_space<vmem>>) target_semaphore(%run_scoped3A : memref<!tpu.dma_semaphore, #tpu.memory_space<semaphore_mem>>)
        %dma_wait3A = tpu.memref_slice %arg2[%add3A_17] : memref<204800xf32, #tpu.memory_space<hbm>> -> memref<64xf32, #tpu.memory_space<hbm>>
        %dma_wait3A_185 = tpu.memref_slice %arg2[%add3A_17] : memref<204800xf32, #tpu.memory_space<hbm>> -> memref<64xf32, #tpu.memory_space<hbm>>
        tpu.wait_dma2 semaphore(%run_scoped3A : memref<!tpu.dma_semaphore, #tpu.memory_space<semaphore_mem>>) src(%dma_wait3A_185 : memref<64xf32, #tpu.memory_space<hbm>>) dst(%arg4 : memref<64xf32, #tpu.memory_space<vmem>>)
        tpu.yield
      }) : () -> ()
      %get3A = arith.constant 0 : index
      %get3A_18 = tpu.vector_load %arg4[%get3A] {strides = array<i32>} : memref<64xf32, #tpu.memory_space<vmem>>, vector<16xf32>,
      %convert_element_type3A = arith.fptosi %get3A_18 : vector<16xf32> to vector<16xi32>
      %min3A = arith.constant 599 : i32
      %min3A_19 = vector.broadcast %min3A : i32 to vector<16xi32>
      %min3A_20 = arith.minsi %convert_element_type3A, %min3A_19 : vector<16xi32>
      %add3A_21 = arith.constant 1 : i32
      %add3A_22 = vector.broadcast %add3A_21 : i32 to vector<16xi32>
      %add3A_23 = arith.addi %min3A_20, %add3A_22 : vector<16xi32>
      %convert_element_type3A_24 = arith.sitofp %add3A_23 : vector<16xi32> to vector<16xf32>
      %sub3A = arith.subf %convert_element_type3A_24, %get3A_18 : vector<16xf32>
      %sub3A_25 = arith.constant 1.000000e+00 : f32
      %sub3A_26 = vector.broadcast %sub3A_25 : f32 to vector<16xf32>
      %sub3A_27 = arith.subf %sub3A_26, %sub3A : vector<16xf32>
      %iota3A = tpu.iota {dimensions = array<i32: 0>} : vector<16xi32>
      %add3A_28 = arith.constant 0 : i32
      %add3A_29 = vector.broadcast %add3A_28 : i32 to vector<16xi32>
      %add3A_30 = arith.addi %iota3A, %add3A_29 : vector<16xi32>
      %mul3A_31 = arith.constant 601 : i32
      %mul3A_32 = vector.broadcast %mul3A_31 : i32 to vector<16xi32>
      %mul3A_33 = arith.muli %add3A_30, %mul3A_32 : vector<16xi32>
      %add3A_34 = arith.addi %mul3A_33, %min3A_20 : vector<16xi32>
      tpu.vector_store_idx %arg5[%add3A_34], %sub3A : memref<38464xf32, #tpu.memory_space<vmem>>[vector<16xi32>], vector<16xf32>,
      %add3A_35 = arith.constant 1 : i32
      %add3A_36 = vector.broadcast %add3A_35 : i32 to vector<16xi32>
      %add3A_37 = arith.addi %add3A_34, %add3A_36 : vector<16xi32>
      tpu.vector_store_idx %arg5[%add3A_37], %sub3A_27 : memref<38464xf32, #tpu.memory_space<vmem>>[vector<16xi32>], vector<16xf32>,
      %get3A_38 = arith.constant 16 : index
      %get3A_39 = tpu.vector_load %arg4[%get3A_38] {strides = array<i32>} : memref<64xf32, #tpu.memory_space<vmem>>, vector<16xf32>,
      %convert_element_type3A_40 = arith.fptosi %get3A_39 : vector<16xf32> to vector<16xi32>
      %min3A_41 = arith.constant 599 : i32
      %min3A_42 = vector.broadcast %min3A_41 : i32 to vector<16xi32>
      %min3A_43 = arith.minsi %convert_element_type3A_40, %min3A_42 : vector<16xi32>
      %add3A_44 = arith.constant 1 : i32
      %add3A_45 = vector.broadcast %add3A_44 : i32 to vector<16xi32>
      %add3A_46 = arith.addi %min3A_43, %add3A_45 : vector<16xi32>
      %convert_element_type3A_47 = arith.sitofp %add3A_46 : vector<16xi32> to vector<16xf32>
      %sub3A_48 = arith.subf %convert_element_type3A_47, %get3A_39 : vector<16xf32>
      %sub3A_49 = arith.constant 1.000000e+00 : f32
      %sub3A_50 = vector.broadcast %sub3A_49 : f32 to vector<16xf32>
      %sub3A_51 = arith.subf %sub3A_50, %sub3A_48 : vector<16xf32>
      %iota3A_52 = tpu.iota {dimensions = array<i32: 0>} : vector<16xi32>
      %add3A_53 = arith.constant 16 : i32
      %add3A_54 = vector.broadcast %add3A_53 : i32 to vector<16xi32>
      %add3A_55 = arith.addi %iota3A_52, %add3A_54 : vector<16xi32>
      %mul3A_56 = arith.constant 601 : i32
      %mul3A_57 = vector.broadcast %mul3A_56 : i32 to vector<16xi32>
      %mul3A_58 = arith.muli %add3A_55, %mul3A_57 : vector<16xi32>
      %add3A_59 = arith.addi %mul3A_58, %min3A_43 : vector<16xi32>
      tpu.vector_store_idx %arg5[%add3A_59], %sub3A_48 : memref<38464xf32, #tpu.memory_space<vmem>>[vector<16xi32>], vector<16xf32>,
      %add3A_60 = arith.constant 1 : i32
      %add3A_61 = vector.broadcast %add3A_60 : i32 to vector<16xi32>
      %add3A_62 = arith.addi %add3A_59, %add3A_61 : vector<16xi32>
      tpu.vector_store_idx %arg5[%add3A_62], %sub3A_51 : memref<38464xf32, #tpu.memory_space<vmem>>[vector<16xi32>], vector<16xf32>,
      %get3A_63 = arith.constant 32 : index
      %get3A_64 = tpu.vector_load %arg4[%get3A_63] {strides = array<i32>} : memref<64xf32, #tpu.memory_space<vmem>>, vector<16xf32>,
      %convert_element_type3A_65 = arith.fptosi %get3A_64 : vector<16xf32> to vector<16xi32>
      %min3A_66 = arith.constant 599 : i32
      %min3A_67 = vector.broadcast %min3A_66 : i32 to vector<16xi32>
      %min3A_68 = arith.minsi %convert_element_type3A_65, %min3A_67 : vector<16xi32>
      %add3A_69 = arith.constant 1 : i32
      %add3A_70 = vector.broadcast %add3A_69 : i32 to vector<16xi32>
      %add3A_71 = arith.addi %min3A_68, %add3A_70 : vector<16xi32>
      %convert_element_type3A_72 = arith.sitofp %add3A_71 : vector<16xi32> to vector<16xf32>
      %sub3A_73 = arith.subf %convert_element_type3A_72, %get3A_64 : vector<16xf32>
      %sub3A_74 = arith.constant 1.000000e+00 : f32
      %sub3A_75 = vector.broadcast %sub3A_74 : f32 to vector<16xf32>
      %sub3A_76 = arith.subf %sub3A_75, %sub3A_73 : vector<16xf32>
      %iota3A_77 = tpu.iota {dimensions = array<i32: 0>} : vector<16xi32>
      %add3A_78 = arith.constant 32 : i32
      %add3A_79 = vector.broadcast %add3A_78 : i32 to vector<16xi32>
      %add3A_80 = arith.addi %iota3A_77, %add3A_79 : vector<16xi32>
      %mul3A_81 = arith.constant 601 : i32
      %mul3A_82 = vector.broadcast %mul3A_81 : i32 to vector<16xi32>
      %mul3A_83 = arith.muli %add3A_80, %mul3A_82 : vector<16xi32>
      %add3A_84 = arith.addi %mul3A_83, %min3A_68 : vector<16xi32>
      tpu.vector_store_idx %arg5[%add3A_84], %sub3A_73 : memref<38464xf32, #tpu.memory_space<vmem>>[vector<16xi32>], vector<16xf32>,
      %add3A_85 = arith.constant 1 : i32
      %add3A_86 = vector.broadcast %add3A_85 : i32 to vector<16xi32>
      %add3A_87 = arith.addi %add3A_84, %add3A_86 : vector<16xi32>
      tpu.vector_store_idx %arg5[%add3A_87], %sub3A_76 : memref<38464xf32, #tpu.memory_space<vmem>>[vector<16xi32>], vector<16xf32>,
      %get3A_88 = arith.constant 48 : index
      %get3A_89 = tpu.vector_load %arg4[%get3A_88] {strides = array<i32>} : memref<64xf32, #tpu.memory_space<vmem>>, vector<16xf32>,
      %convert_element_type3A_90 = arith.fptosi %get3A_89 : vector<16xf32> to vector<16xi32>
      %min3A_91 = arith.constant 599 : i32
      %min3A_92 = vector.broadcast %min3A_91 : i32 to vector<16xi32>
      %min3A_93 = arith.minsi %convert_element_type3A_90, %min3A_92 : vector<16xi32>
      %add3A_94 = arith.constant 1 : i32
      %add3A_95 = vector.broadcast %add3A_94 : i32 to vector<16xi32>
      %add3A_96 = arith.addi %min3A_93, %add3A_95 : vector<16xi32>
      %convert_element_type3A_97 = arith.sitofp %add3A_96 : vector<16xi32> to vector<16xf32>
      %sub3A_98 = arith.subf %convert_element_type3A_97, %get3A_89 : vector<16xf32>
      %sub3A_99 = arith.constant 1.000000e+00 : f32
      %sub3A_100 = vector.broadcast %sub3A_99 : f32 to vector<16xf32>
      %sub3A_101 = arith.subf %sub3A_100, %sub3A_98 : vector<16xf32>
      %iota3A_102 = tpu.iota {dimensions = array<i32: 0>} : vector<16xi32>
      %add3A_103 = arith.constant 48 : i32
      %add3A_104 = vector.broadcast %add3A_103 : i32 to vector<16xi32>
      %add3A_105 = arith.addi %iota3A_102, %add3A_104 : vector<16xi32>
      %mul3A_106 = arith.constant 601 : i32
      %mul3A_107 = vector.broadcast %mul3A_106 : i32 to vector<16xi32>
      %mul3A_108 = arith.muli %add3A_105, %mul3A_107 : vector<16xi32>
      %add3A_109 = arith.addi %mul3A_108, %min3A_93 : vector<16xi32>
      tpu.vector_store_idx %arg5[%add3A_109], %sub3A_98 : memref<38464xf32, #tpu.memory_space<vmem>>[vector<16xi32>], vector<16xf32>,
      %add3A_110 = arith.constant 1 : i32
      %add3A_111 = vector.broadcast %add3A_110 : i32 to vector<16xi32>
      %add3A_112 = arith.addi %add3A_109, %add3A_111 : vector<16xi32>
      tpu.vector_store_idx %arg5[%add3A_112], %sub3A_101 : memref<38464xf32, #tpu.memory_space<vmem>>[vector<16xi32>], vector<16xf32>,
      %mul3A_113 = arith.constant 601 : i32
      %mul3A_114 = arith.muli %add3A_17, %mul3A_113 : i32
      "tpu.region"() ({
        %run_scoped3A = tpu.sem_alloc : memref<!tpu.dma_semaphore, #tpu.memory_space<semaphore_mem>>
        %dma_start3A = tpu.memref_slice %arg3[%mul3A_114] : memref<123084800xf32, #tpu.memory_space<hbm>> -> memref<38464xf32, #tpu.memory_space<hbm>>
        %dma_start3A_184 = tpu.memref_slice %arg3[%mul3A_114] : memref<123084800xf32, #tpu.memory_space<hbm>> -> memref<38464xf32, #tpu.memory_space<hbm>>
        tpu.enqueue_dma source(%arg5 : memref<38464xf32, #tpu.memory_space<vmem>>) target(%dma_start3A_184 : memref<38464xf32, #tpu.memory_space<hbm>>) target_semaphore(%run_scoped3A : memref<!tpu.dma_semaphore, #tpu.memory_space<semaphore_mem>>)
        %dma_wait3A = tpu.memref_slice %arg3[%mul3A_114] : memref<123084800xf32, #tpu.memory_space<hbm>> -> memref<38464xf32, #tpu.memory_space<hbm>>
        %dma_wait3A_185 = tpu.memref_slice %arg3[%mul3A_114] : memref<123084800xf32, #tpu.memory_space<hbm>> -> memref<38464xf32, #tpu.memory_space<hbm>>
        tpu.wait_dma2 semaphore(%run_scoped3A : memref<!tpu.dma_semaphore, #tpu.memory_space<semaphore_mem>>) src(%arg5 : memref<38464xf32, #tpu.memory_space<vmem>>) dst(%dma_wait3A_185 : memref<38464xf32, #tpu.memory_space<hbm>>)
        tpu.yield
      }) : () -> ()
      %broadcast_in_dim3A = arith.constant 0.000000e+00 : f32
      %broadcast_in_dim3A_115 = vector.broadcast %broadcast_in_dim3A : f32 to vector<16xf32>
      %get3A_116 = arith.constant 0 : index
      %get3A_117 = tpu.vector_load %arg4[%get3A_116] {strides = array<i32>} : memref<64xf32, #tpu.memory_space<vmem>>, vector<16xf32>,
      %convert_element_type3A_118 = arith.fptosi %get3A_117 : vector<16xf32> to vector<16xi32>
      %min3A_119 = arith.constant 599 : i32
      %min3A_120 = vector.broadcast %min3A_119 : i32 to vector<16xi32>
      %min3A_121 = arith.minsi %convert_element_type3A_118, %min3A_120 : vector<16xi32>
      %iota3A_122 = tpu.iota {dimensions = array<i32: 0>} : vector<16xi32>
      %add3A_123 = arith.constant 0 : i32
      %add3A_124 = vector.broadcast %add3A_123 : i32 to vector<16xi32>
      %add3A_125 = arith.addi %iota3A_122, %add3A_124 : vector<16xi32>
      %mul3A_126 = arith.constant 601 : i32
      %mul3A_127 = vector.broadcast %mul3A_126 : i32 to vector<16xi32>
      %mul3A_128 = arith.muli %add3A_125, %mul3A_127 : vector<16xi32>
      %add3A_129 = arith.addi %mul3A_128, %min3A_121 : vector<16xi32>
      tpu.vector_store_idx %arg5[%add3A_129], %broadcast_in_dim3A_115 : memref<38464xf32, #tpu.memory_space<vmem>>[vector<16xi32>], vector<16xf32>,
      %add3A_130 = arith.constant 1 : i32
      %add3A_131 = vector.broadcast %add3A_130 : i32 to vector<16xi32>
      %add3A_132 = arith.addi %add3A_129, %add3A_131 : vector<16xi32>
      tpu.vector_store_idx %arg5[%add3A_132], %broadcast_in_dim3A_115 : memref<38464xf32, #tpu.memory_space<vmem>>[vector<16xi32>], vector<16xf32>,
      %get3A_133 = arith.constant 16 : index
      %get3A_134 = tpu.vector_load %arg4[%get3A_133] {strides = array<i32>} : memref<64xf32, #tpu.memory_space<vmem>>, vector<16xf32>,
      %convert_element_type3A_135 = arith.fptosi %get3A_134 : vector<16xf32> to vector<16xi32>
      %min3A_136 = arith.constant 599 : i32
      %min3A_137 = vector.broadcast %min3A_136 : i32 to vector<16xi32>
      %min3A_138 = arith.minsi %convert_element_type3A_135, %min3A_137 : vector<16xi32>
      %iota3A_139 = tpu.iota {dimensions = array<i32: 0>} : vector<16xi32>
      %add3A_140 = arith.constant 16 : i32
      %add3A_141 = vector.broadcast %add3A_140 : i32 to vector<16xi32>
      %add3A_142 = arith.addi %iota3A_139, %add3A_141 : vector<16xi32>
      %mul3A_143 = arith.constant 601 : i32
      %mul3A_144 = vector.broadcast %mul3A_143 : i32 to vector<16xi32>
      %mul3A_145 = arith.muli %add3A_142, %mul3A_144 : vector<16xi32>
      %add3A_146 = arith.addi %mul3A_145, %min3A_138 : vector<16xi32>
      tpu.vector_store_idx %arg5[%add3A_146], %broadcast_in_dim3A_115 : memref<38464xf32, #tpu.memory_space<vmem>>[vector<16xi32>], vector<16xf32>,
      %add3A_147 = arith.constant 1 : i32
      %add3A_148 = vector.broadcast %add3A_147 : i32 to vector<16xi32>
      %add3A_149 = arith.addi %add3A_146, %add3A_148 : vector<16xi32>
      tpu.vector_store_idx %arg5[%add3A_149], %broadcast_in_dim3A_115 : memref<38464xf32, #tpu.memory_space<vmem>>[vector<16xi32>], vector<16xf32>,
      %get3A_150 = arith.constant 32 : index
      %get3A_151 = tpu.vector_load %arg4[%get3A_150] {strides = array<i32>} : memref<64xf32, #tpu.memory_space<vmem>>, vector<16xf32>,
      %convert_element_type3A_152 = arith.fptosi %get3A_151 : vector<16xf32> to vector<16xi32>
      %min3A_153 = arith.constant 599 : i32
      %min3A_154 = vector.broadcast %min3A_153 : i32 to vector<16xi32>
      %min3A_155 = arith.minsi %convert_element_type3A_152, %min3A_154 : vector<16xi32>
      %iota3A_156 = tpu.iota {dimensions = array<i32: 0>} : vector<16xi32>
      %add3A_157 = arith.constant 32 : i32
      %add3A_158 = vector.broadcast %add3A_157 : i32 to vector<16xi32>
      %add3A_159 = arith.addi %iota3A_156, %add3A_158 : vector<16xi32>
      %mul3A_160 = arith.constant 601 : i32
      %mul3A_161 = vector.broadcast %mul3A_160 : i32 to vector<16xi32>
      %mul3A_162 = arith.muli %add3A_159, %mul3A_161 : vector<16xi32>
      %add3A_163 = arith.addi %mul3A_162, %min3A_155 : vector<16xi32>
      tpu.vector_store_idx %arg5[%add3A_163], %broadcast_in_dim3A_115 : memref<38464xf32, #tpu.memory_space<vmem>>[vector<16xi32>], vector<16xf32>,
      %add3A_164 = arith.constant 1 : i32
      %add3A_165 = vector.broadcast %add3A_164 : i32 to vector<16xi32>
      %add3A_166 = arith.addi %add3A_163, %add3A_165 : vector<16xi32>
      tpu.vector_store_idx %arg5[%add3A_166], %broadcast_in_dim3A_115 : memref<38464xf32, #tpu.memory_space<vmem>>[vector<16xi32>], vector<16xf32>,
      %get3A_167 = arith.constant 48 : index
      %get3A_168 = tpu.vector_load %arg4[%get3A_167] {strides = array<i32>} : memref<64xf32, #tpu.memory_space<vmem>>, vector<16xf32>,
      %convert_element_type3A_169 = arith.fptosi %get3A_168 : vector<16xf32> to vector<16xi32>
      %min3A_170 = arith.constant 599 : i32
      %min3A_171 = vector.broadcast %min3A_170 : i32 to vector<16xi32>
      %min3A_172 = arith.minsi %convert_element_type3A_169, %min3A_171 : vector<16xi32>
      %iota3A_173 = tpu.iota {dimensions = array<i32: 0>} : vector<16xi32>
      %add3A_174 = arith.constant 48 : i32
      %add3A_175 = vector.broadcast %add3A_174 : i32 to vector<16xi32>
      %add3A_176 = arith.addi %iota3A_173, %add3A_175 : vector<16xi32>
      %mul3A_177 = arith.constant 601 : i32
      %mul3A_178 = vector.broadcast %mul3A_177 : i32 to vector<16xi32>
      %mul3A_179 = arith.muli %add3A_176, %mul3A_178 : vector<16xi32>
      %add3A_180 = arith.addi %mul3A_179, %min3A_172 : vector<16xi32>
      tpu.vector_store_idx %arg5[%add3A_180], %broadcast_in_dim3A_115 : memref<38464xf32, #tpu.memory_space<vmem>>[vector<16xi32>], vector<16xf32>,
      %add3A_181 = arith.constant 1 : i32
      %add3A_182 = vector.broadcast %add3A_181 : i32 to vector<16xi32>
      %add3A_183 = arith.addi %add3A_180, %add3A_182 : vector<16xi32>
      tpu.vector_store_idx %arg5[%add3A_183], %broadcast_in_dim3A_115 : memref<38464xf32, #tpu.memory_space<vmem>>[vector<16xi32>], vector<16xf32>,
    }
    %scan3A_13 = arith.constant 100 : i32
    return
  }
}

module attributes {stable_mosaic.version = 14 : i64} {
  func.func @_c_kernel(%arg0: memref<4096x50xf32, #tpu.memory_space<vmem>>, %arg1: memref<4096x50xf32, #tpu.memory_space<vmem>>) attributes {dimension_semantics = [], scalar_prefetch = 0 : i64, scratch_operands = 0 : i64, tpu.core_type = #tpu.core_type<tc>} {
    %get3A = arith.constant 0 : index
    %get3A_0 = arith.constant 0 : index
    %get3A_1 = vector.load %arg0[%get3A, %get3A_0] : memref<4096x50xf32, #tpu.memory_space<vmem>>, vector<4096x50xf32>
    %sign3A = tpu.bitcast %get3A_1 : vector<4096x50xf32> -> vector<4096x50xi32>
    %sign3A_2 = arith.constant -2147483648 : i32
    %sign3A_3 = vector.broadcast %sign3A_2 : i32 to vector<4096x50xi32>
    %sign3A_4 = arith.andi %sign3A, %sign3A_3 : vector<4096x50xi32>
    %sign3A_5 = arith.constant 1065353216 : i32
    %sign3A_6 = vector.broadcast %sign3A_5 : i32 to vector<4096x50xi32>
    %sign3A_7 = arith.ori %sign3A_6, %sign3A_4 : vector<4096x50xi32>
    %sign3A_8 = tpu.bitcast %sign3A_7 : vector<4096x50xi32> -> vector<4096x50xf32>
    %sign3A_9 = math.absf %get3A_1 : vector<4096x50xf32>
    %sign3A_10 = arith.constant 0.000000e+00 : f32
    %sign3A_11 = vector.broadcast %sign3A_10 : f32 to vector<4096x50xf32>
    %sign3A_12 = arith.cmpf ogt, %sign3A_9, %sign3A_11 : vector<4096x50xf32>
    %sign3A_13 = arith.select %sign3A_12, %sign3A_8, %get3A_1 : vector<4096x50xi1>, vector<4096x50xf32>
    %abs3A = math.absf %get3A_1 : vector<4096x50xf32>
    %add3A = arith.constant 1.000000e+00 : f32
    %add3A_14 = vector.broadcast %add3A : f32 to vector<4096x50xf32>
    %add3A_15 = arith.addf %abs3A, %add3A_14 : vector<4096x50xf32>
    %sqrt3A = math.sqrt %add3A_15 : vector<4096x50xf32>
    %sub3A = arith.constant 1.000000e+00 : f32
    %sub3A_16 = vector.broadcast %sub3A : f32 to vector<4096x50xf32>
    %sub3A_17 = arith.subf %sqrt3A, %sub3A_16 : vector<4096x50xf32>
    %mul3A = arith.constant 1.000000e-03 : f32
    %mul3A_18 = vector.broadcast %mul3A : f32 to vector<4096x50xf32>
    %mul3A_19 = arith.mulf %mul3A_18, %get3A_1 : vector<4096x50xf32>
    %add3A_20 = arith.addf %sub3A_17, %mul3A_19 : vector<4096x50xf32>
    %mul3A_21 = arith.mulf %sign3A_13, %add3A_20 : vector<4096x50xf32>
    %add3A_22 = arith.constant 3.000000e+02 : f32
    %add3A_23 = vector.broadcast %add3A_22 : f32 to vector<4096x50xf32>
    %add3A_24 = arith.addf %mul3A_21, %add3A_23 : vector<4096x50xf32>
    %jit3A = arith.constant 0.000000e+00 : f32
    %jit3A_25 = arith.constant 5.999990e+02 : f32
    %max3A = vector.broadcast %jit3A : f32 to vector<4096x50xf32>
    %max3A_26 = arith.maximumf %max3A, %add3A_24 : vector<4096x50xf32>
    %min3A = vector.broadcast %jit3A_25 : f32 to vector<4096x50xf32>
    %min3A_27 = arith.minimumf %min3A, %max3A_26 : vector<4096x50xf32>
    %swap3A = arith.constant 0 : index
    %swap3A_28 = arith.constant 0 : index
    %swap3A_29 = vector.load %arg1[%swap3A, %swap3A_28] : memref<4096x50xf32, #tpu.memory_space<vmem>>, vector<4096x50xf32>
    tpu.vector_store %arg1[%swap3A, %swap3A_28], %min3A_27 {strides = array<i32>} : memref<4096x50xf32, #tpu.memory_space<vmem>>, vector<4096x50xf32>,
    return
  }
}

</mosaic_0001>

<sc_bundles>
// kernel: kernel.4.cloned.1.call-start
scs
__scs_entry_jumppad:
0x0: {  	(pc) =	sbr.rel $0x88, $3  }
0x1: {  	(tag) =	ssettag $0x0;
	lr =	simm.s32 $0x1  }
0x2: {  	[smem:$0x3FA0] =	sst lr;
	_ =	strace $0xD0000000  }
0x3: {  	_ = 	snop  }
0x4: {  	_ = 	snop  }
0x5: {  	_ = 	snop  }
0x6: {  	_ = 	snop  }
0x7: {  	_ = 	snop  }
__scs_overlays_trampoline_lowered:
0x8: {  	[smem:$0x3FAF] =	sst s0  }
0x9: {  	[smem:$0x3FB0] =	sst s1  }
0xa: {  	[smem:$0x3FB1] =	sst s2  }
0xb: {  	[smem:$0x3FB2] =	sst s3  }
0xc: {  	[smem:$0x3FB3] =	sst s4  }
0xd: {  	[smem:$0x3FB4] =	sst s5  }
0xe: {  	[smem:$0x3FB5] =	sst s6  }
0xf: {  	[smem:$0x3FB6] =	sst s7  }
0x10: {  	[smem:$0x3FB7] =	sst s8  }
0x11: {  	[smem:$0x3FB8] =	sst s9;
	s0 =	simm.s32 @!p0 $0x0  }
0x12: {  	s1 =	sld [smem:$0x3F9E];
	s0 =	simm.s32 @p0 $0x1  }
0x13: {  	[smem:$0x3FB9] =	sst s0;
	s0 =	simm.s32 @!p1 $0x0  }
0x14: {  	s2 =	sld [smem:$0x3F9D];
	s0 =	simm.s32 @p1 $0x1  }
0x15: {  	[smem:$0x3FBA] =	sst s0;
	s0 =	simm.s32 @!p2 $0x0  }
0x16: {  	s3 =	sld [smem:$0x3FDB];
	s0 =	simm.s32 @p2 $0x1  }
0x17: {  	s4 =	simm.s32 $0x1BF5;
	[smem:$0x3FBC] =	sst s0  }
0x18: {  	s0 =	sld [smem:$0x3F9F];
	_ =	swait.ge [sflag:s4], $0x0  }
0x19: {  	s7 =	sld [smem:$0x3FA0]  }
0x1a: {  	s8 =	sadd.s32 $0xFFFFE003, lr  }
0x1b: {  	s9 =	sadd.s32 $0xFFFFFEF7, lr;
	s5 =	simm.s32 $0xFFFFFFFF;
	p2 =	slt.u32 s8, $0xFFFFF086  }
0x1c: {  	p1 =	slt.u32 s9, $0xF7A;
	s5 =	simm.s32 @!p2 $0x0  }
0x1d: {  	s5 =	simm.s32 @p1 $0x1;
	p0 =	seq.s32 s7, s2  }
0x1e: {  	s7 =	smul.u32 @!p0 $0xF7A, s2;
	p2 =	seq.s32 @!p0 s5, $0x0  }
0x1f: {  	s9 =	smul.u32 $0xF7A, s1;
	s8 =	simm.s32 @!p0 $0x1BF5;
	p2 =	por !p2, p0  }
0x20: {  	[sflag:s8] =	ssyncset.s32 @!p0 $0xFFFFF086;
	s6 =	sadd.s32 @!p0 s3, s7;
	s7 =	simm.s32 @!p0 $0x108  }
0x21: {  	s3 =	sadd.s32 s3, s9;
	s6 =	sadd.s32 @!p0 $0x88, s6;
	s7 =	simm.s32 @p2 $0x1082  }
0x22: {  	[simem:s7], [sflag:s8] =	dma.local @!p0 [hbm:s6], $0xF7A  }
0x23: {  	s9 =	sor.u32 $0xD0000000, s2;
	s6 =	simm.s32 $0x108;
	_ =	swait.ge @!p0 [sflag:s8], $0x0  }
0x24: {  	s3 =	sadd.s32 $0x88, s3;
	s6 =	simm.s32 @!p1 $0x1082;
	[sflag:s4] =	ssyncset.s32 $0xFFFFF086  }
0x25: {  	[simem:s6], [sflag:s4] =	dma.local [hbm:s3], $0xF7A  }
0x26: {  	[smem:$0x3FA0] =	sst s1;
	(tag) =	ssettag s2;
	_ =	strace s9  }
0x27: {  	s1 =	sld [smem:$0x3FB0]  }
0x28: {  	s2 =	sld [smem:$0x3FB1]  }
0x29: {  	s4 =	sld [smem:$0x3FB3]  }
0x2a: {  	p0 =	seq.s32 s5, $0x0;
	s5 =	sld [smem:$0x3FB4]  }
0x2b: {  	s6 =	sld [smem:$0x3FB5]  }
0x2c: {  	s7 =	sld [smem:$0x3FB6]  }
0x2d: {  	s3 =	simm.s32 $0x108;
	s8 =	sld [smem:$0x3FB7]  }
0x2e: {  	s3 =	simm.s32 @!p0 $0x1082;
	s9 =	sld [smem:$0x3FB8]  }
0x2f: {  	lr =	sadd.s32 s0, s3;
	s0 =	sld [smem:$0x3FAF]  }
0x30: {  	s3 =	sld [smem:$0x3FB2]  }
0x31: {  	[smem:$0x3FBB] =	sst s10  }
0x32: {  	s10 =	sld [smem:$0x3FB9];
	_ =	sdelay $0x3  }
0x33: {  	p0 =	seq.s32 s10, $0x1;
	s10 =	sld [smem:$0x3FBB];
	_ =	sdelay $0x3  }
0x34: {  	[smem:$0x3FBB] =	sst s10  }
0x35: {  	s10 =	sld [smem:$0x3FBA];
	_ =	sdelay $0x3  }
0x36: {  	p1 =	seq.s32 s10, $0x1;
	s10 =	sld [smem:$0x3FBB];
	_ =	sdelay $0x3  }
0x37: {  	[smem:$0x3FBB] =	sst s10  }
0x38: {  	s10 =	sld [smem:$0x3FBC]  }
0x39: {  	_ = 	snop;
	(pc) =	sbr.ind lr, $3  }
0x3a: {  	_ = 	snop  }
0x3b: {  	_ = 	snop  }
0x3c: {  	p2 =	seq.s32 s10, $0x1;
	s10 =	sld [smem:$0x3FBB]  }
0x3d: {  	_ =	shalt  }
0x3e: {  	_ =	shalt  }
0x3f: {  	_ =	shalt  }
0x40: {  	_ =	shalt  }
0x41: {  	_ =	shalt  }
0x42: {  	_ =	shalt  }
0x43: {  	_ =	shalt  }
0x44: {  	_ =	shalt  }
0x45: {  	_ =	shalt  }
0x46: {  	_ =	shalt  }
0x47: {  	_ =	shalt  }
0x48: {  	_ =	shalt  }
0x49: {  	_ =	shalt  }
0x4a: {  	_ =	shalt  }
0x4b: {  	_ =	shalt  }
0x4c: {  	_ =	shalt  }
0x4d: {  	_ =	shalt  }
0x4e: {  	_ =	shalt  }
0x4f: {  	_ =	shalt  }
0x50: {  	_ =	shalt  }
0x51: {  	_ =	shalt  }
0x52: {  	_ =	shalt  }
0x53: {  	_ =	shalt  }
0x54: {  	_ =	shalt  }
0x55: {  	_ =	shalt  }
0x56: {  	_ =	shalt  }
0x57: {  	_ =	shalt  }
0x58: {  	_ =	shalt  }
0x59: {  	_ =	shalt  }
0x5a: {  	_ =	shalt  }
0x5b: {  	_ =	shalt  }
0x5c: {  	_ =	shalt  }
0x5d: {  	_ =	shalt  }
0x5e: {  	_ =	shalt  }
0x5f: {  	_ =	shalt  }
0x60: {  	_ =	shalt  }
0x61: {  	_ =	shalt  }
0x62: {  	_ =	shalt  }
0x63: {  	_ =	shalt  }
0x64: {  	_ =	shalt  }
0x65: {  	_ =	shalt  }
0x66: {  	_ =	shalt  }
0x67: {  	_ =	shalt  }
0x68: {  	_ =	shalt  }
0x69: {  	_ =	shalt  }
0x6a: {  	_ =	shalt  }
0x6b: {  	_ =	shalt  }
0x6c: {  	_ =	shalt  }
0x6d: {  	_ =	shalt  }
0x6e: {  	_ =	shalt  }
0x6f: {  	_ =	shalt  }
0x70: {  	_ =	shalt  }
0x71: {  	_ =	shalt  }
0x72: {  	_ =	shalt  }
0x73: {  	_ =	shalt  }
0x74: {  	_ =	shalt  }
0x75: {  	_ =	shalt  }
0x76: {  	_ =	shalt  }
0x77: {  	_ =	shalt  }
0x78: {  	_ =	shalt  }
0x79: {  	_ =	shalt  }
0x7a: {  	_ =	shalt  }
0x7b: {  	_ =	shalt  }
0x7c: {  	_ =	shalt  }
0x7d: {  	_ =	shalt  }
0x7e: {  	_ =	shalt  }
0x7f: {  	_ =	shalt  }
0x80: {  	_ =	shalt  }
0x81: {  	_ =	shalt  }
0x82: {  	_ =	shalt  }
0x83: {  	_ =	shalt  }
0x84: {  	_ =	shalt  }
0x85: {  	_ =	shalt  }
0x86: {  	_ =	shalt  }
0x87: {  	_ =	shalt  }
.Lfunc_end0:
.L_simem_size_0:
called_computation_lowered:
.L_overlay_start_0:
0x88: {  	s2 =	sld [smem:$0x3FD9]  }
0x89: {  	s3 =	sld [smem:$0x3FFE];
	_ =	sdelay $0x1  }
0x8a: {  	s1 =	srdreg.scid  }
0x8b: {  	s0 =	sand.u32 $0x1, s1  }
0x8c: {  	s17 =	sshll.u32 s0, $0xA;
	s2 =	sadd.s32 s3, s2  }
0x8d: {  	s2 =	sadd.s32 s2, s17  }
0x8e: {  	[smem:$0x3FC7] =	sst s2  }
0x8f: {  	_ = 	snop  }
0x90: {  	s2 =	sld [smem:$0x3FD0];
	(tm) =	ssettm $0x1  }
0x91: {  	s18 =	sld [smem:$0x3FFB];
	_ =	sdelay $0x3  }
0x92: {  	_ =	strace s18  }
0x93: {  	s3 =	sld [smem:$0x3FFC];
	_ =	sdelay $0x3  }
0x94: {  	_ =	strace s3  }
0x95: {  	s3 =	sld [smem:$0x3FFD];
	_ =	sdelay $0x3  }
0x96: {  	_ =	strace s3  }
0x97: {  	_ =	strace $0x8FFFFFFF  }
0x98: {  	s19 =	sld [smem:$0x3FDB];
	_ =	sdelay $0x1  }
0x99: {  	s4 =	simm.s32 $_scs_section_size  }
0x9a: {  	s5 =	simm.s32 $_size__tile_overlayer_lowered;
	s6 =	simm.s32 $_tile_overlayer_lowered  }
0x9b: {  	s22 =	simm.s32 $0x1BFF;
	s21 =	sshll.u32 s6, $0x1;
	s3 =	sadd.s32 s4, s19  }
0x9c: {  	s7 =	simm.s32 $0x0;
	s20 =	sshll.u32 s5, $0x1;
	s5 =	sadd.s32 s21, s3  }
0x9d: {  	[timem:s7], [sflag:s22] =	dma.local [hbm:s5], s20  }
0x9e: {  	_ =	swait.ge [sflag:s22], s20  }
0x9f: {  	s4 =	ssub.s32 $0x0, s20;
	[sflag:s22] =	ssyncset.done $0x0  }
0xa0: {  	[sflag:s22] =	ssyncadd.s32 s4;
	_ =	sdelay $0x1  }
0xa1: {  	s23 =	simm.s32 $0x1B8B  }
0xa2: {  	_ =	swait.ge [sflag:s23], $0x1  }
0xa3: {  	[sflag:s23] =	ssyncset.done $0x0  }
0xa4: {  	s25 =	simm.s32 $0x1B8E;
	s24 =	sld [smem:$0x3FFE];
	[sflag:s23] =	ssyncadd.s32 $0xFFFFFFFF  }
0xa5: {  	s26 =	simm.s32 $execute0_lowered;
	[smem:$0x3FD2] =	sst s25  }
0xa6: {  	s5 =	sshll.u32 s26, $0x1;
	_ =	strace $0x80000046;
	[dreg:$0x1] =	wrdreg $0xFFFFFFFF  }
0xa7: {  	s28 =	simm.s32 $_size_execute0_lowered;
	s3 =	sadd.s32 s3, s5;
	[dreg:$0x0] =	wrdreg $0x0  }
0xa8: {  	s5 =	sshll.u32 s28, $0x1;
	[dreg:$0x2] =	wrdreg s3  }
0xa9: {  	[dreg:$0x3] =	wrdreg s5  }
0xaa: {  	[dreg:$0x4] =	wrdreg $0xC0  }
0xab: {  	_ =	task [dreg:s7], $0x5FFFF  }
0xac: {  	[dreg:$0x1] =	wrdreg $0xFFFFFFFF  }
0xad: {  	[dreg:$0x0] =	wrdreg $0x60  }
0xae: {  	[dreg:$0x2] =	wrdreg s24  }
0xaf: {  	[dreg:$0x3] =	wrdreg s2  }
0xb0: {  	[dreg:$0x4] =	wrdreg $0x9  }
0xb1: {  	_ =	task.clear_ibuf [dreg:s7], $0x5FFFF;
	_ =	strace $0x90000046  }
0xb2: {  	s29 =	simm.s32 $0x9;
	_ =	strace $0x80000048  }
0xb3: {  	_ =	swait.ge [sflag:s29], $0x1  }
0xb4: {  	[sflag:s29] =	ssyncadd.s32 $0xFFFFFFFF  }
0xb5: {  	_ =	strace $0x90000048  }
0xb6: {  	_ =	sfence  }
0xb7: {  	s30 =	sld [smem:$0x0];
	_ =	sdelay $0x2  }
0xb8: {  	s31 =	sshll.u32 s1, $0xD;
	s1 =	sshrl.u32 s1, $0x2  }
0xb9: {  	s3 =	sand.u32 $0x4000, s31;
	s1 =	sadd.s32 s1, s30  }
0xba: {  	s0 =	sor.u32 s3, s0;
	s1 =	sshll.u32 s1, $0x11  }
0xbb: {  	s0 =	sor.u32 s1, s0  }
0xbc: {  	s0 =	sadd.s32 $0x8F2B, s0  }
0xbd: {  	[sflag:s0] =	ssyncadd.remote.s32 $0x1  }
0xbe: {  	_ =	sfence.sel $0xFFFF  }
0xbf: {  	[dreg:$0x0] =	wrdreg $0xFFFFFFFF;
	(pc) =	sbr.abs _section_cstart, $3  }
0xc0: {  	[dreg:$0x1] =	wrdreg $0xFFFFFFFF  }
0xc1: {  	_ =	task.clear_ibuf [dreg:s7], $0x2FFFF;
	_ =	strace $0x9FFFFFFF  }
0xc2: {  	(tm) =	ssettm $0x7FFFFFFF  }
0xc3: {  	_ =	shalt  }
tec
execute0_lowered:
.L_overlay_start_1:
0x0: {  	(tag) =	ssettag $0x1  }
0x1: {  	s1 =	srdreg.scid;
	s0 =	stileid.u32  }
0x2: {  	s3 =	rddreg [dreg:$0x0];
	s5 =	smul.u32 $0x3200, s0  }
0x3: {  	s6 =	rddreg [dreg:$0x1];
	s4 =	sand.u32 $0x1, s1;
	s8 =	smul.u32 $0x756200, s0  }
0x4: {  	s2 =	simm.s32 $0x0;
	s1 =	rddreg [dreg:$0x2];
	s7 =	smul.u32 $0x1900, s4  }
0x5: {  	v0 =	vlaneseq.u32;
	[smem:$0x7FF] =	sst s2;
	s9 =	smul.u32 $0x3AB100, s4  }
0x6: {  	v0 =	vmul.u32 $0x259, v0;
	_ =	strace $0x80000047;
	s4 =	ssub.s32 $0x2, s4;
	s5 =	sadd.s32 s7, s5  }
0x7: {  	s30 =	sshrl.u32 s4, $0x1;
	s29 =	sadd.s32 s9, s8;
	s5 =	sshrl.u32 s5, $0x3  }
0x8: {  	v1 =	vimm.f32 $0.0e+00;
	v2 =	vadd.s32 $0x1, v0;
	s31 =	ssub.s32 s4, s30;
	s8 =	simm.s32 $0x0;
	s5 =	sadd.s32 s5, s3  }
0x9: {  	v3 =	vadd.s32 $0x2590, v0;
	v4 =	vadd.s32 $0x2591, v0;
	v5 =	vadd.s32 $0x4B20, v0;
	s7 =	sshrl.u32 s29, $0x3;
	s3 =	smax.u32 s31, $0x1;
	s4 =	sadd.s32 $0x600, s5  }
0xa: {  	v6 =	vadd.s32 $0x4B21, v0;
	v7 =	vadd.s32 $0x70B0, v0;
	v8 =	vadd.s32 $0x70B1, v0;
	s5 =	sadd.s32 s7, s6;
	s6 =	simm.s32 $0x1;
	s7 =	simm.s32 $0x80  }
.LBB2_1:
0xb: {  	s9 =	simm.s32 $0x0  }
.LBB2_2:
0xc: {  	p0 =	sne.s32 s9, $0x258C0  }
.Ltmp0:
0xd: {  	_ = 	snop;
	(pc) =	sbr.rel @p0 .LBB2_2-.Ltmp0, $3  }
0xe: {  	_ =	sdelay $0x1  }
0xf: {  	s10 =	sshra.s32 s9, $0x2  }
0x10: {  	s9 =	sadd.s32 $0x40, s9;
	[tilespmem:s10+$0x80] =	vst v1  }
0x11: {  	s9 =	simm.s32 $0x0;
	s10 =	smov.u32 s5  }
.LBB2_4:
0x12: {  	s11 =	sadd.s32 s9, s4  }
0x13: {  	[tilespmem:s2], [sflag:$0x1] =	stream.linear.gather [hbm4b:s11+s2], $0x40, $0x38;
	[tilespmem:$0x9700] =	vst v63  }
0x14: {  	_ =	swait.ge [sflag:s6], $0x40  }
0x15: {  	[sflag:s6] =	ssyncset.done $0x0  }
0x16: {  	[sflag:s6] =	ssyncadd.s32 $0xFFFFFFC0  }
0x17: {  	v9 =	vld [tilespmem:$0x0];
	_ =	sdelay $0x4  }
0x18: {  	v10 =	vtrunc.f32 v9  }
0x19: {  	v10 =	vcvt.f32.s32 v10;
	_ =	sdelay $0x1  }
0x1a: {  	vm0 =	vlt.s32 v10, $0x257  }
0x1b: {  	v10 =	vnsel vm0, $0x257, v10  }
0x1c: {  	v11 =	vadd.s32 $0x1, v10  }
0x1d: {  	v12 =	vadd.s32 v0, v10;
	v11 =	vcvt.s32.f32 v11  }
0x1e: {  	v10 =	vadd.s32 v2, v10  }
0x1f: {  	v9 =	vsub.f32 v11, v9;
	_ =	sdelay $0x1  }
0x20: {  	v11 =	vsub.f32 $1.000000000e+00, v9  }
0x21: {  	[tilespmem:v12+s7+$0x0] =	vst.idx.msk $0xffff, v9  }
0x22: {  	[tilespmem:v10+s7+$0x0] =	vst.idx.msk $0xffff, v11  }
0x23: {  	v9 =	vld [tilespmem:$0x10];
	_ =	sdelay $0x4  }
0x24: {  	v10 =	vtrunc.f32 v9  }
0x25: {  	v10 =	vcvt.f32.s32 v10;
	_ =	sdelay $0x1  }
0x26: {  	vm9 =	vlt.s32 v10, $0x257  }
0x27: {  	v10 =	vnsel vm9, $0x257, v10  }
0x28: {  	v11 =	vadd.s32 $0x1, v10  }
0x29: {  	v61 =	vadd.s32 v3, v10;
	v11 =	vcvt.s32.f32 v11  }
0x2a: {  	v10 =	vadd.s32 v4, v10  }
0x2b: {  	v9 =	vsub.f32 v11, v9;
	_ =	sdelay $0x1  }
0x2c: {  	v11 =	vsub.f32 $1.000000000e+00, v9  }
0x2d: {  	[tilespmem:v61+s7+$0x0] =	vst.idx.msk $0xffff, v9  }
0x2e: {  	[tilespmem:v10+s7+$0x0] =	vst.idx.msk $0xffff, v11  }
0x2f: {  	v9 =	vld [tilespmem:$0x20];
	_ =	sdelay $0x4  }
0x30: {  	v10 =	vtrunc.f32 v9  }
0x31: {  	v10 =	vcvt.f32.s32 v10;
	_ =	sdelay $0x1  }
0x32: {  	vm10 =	vlt.s32 v10, $0x257  }
0x33: {  	v10 =	vnsel vm10, $0x257, v10  }
0x34: {  	v11 =	vadd.s32 $0x1, v10  }
0x35: {  	v62 =	vadd.s32 v5, v10;
	v11 =	vcvt.s32.f32 v11  }
0x36: {  	v10 =	vadd.s32 v6, v10  }
0x37: {  	v9 =	vsub.f32 v11, v9;
	_ =	sdelay $0x1  }
0x38: {  	v11 =	vsub.f32 $1.000000000e+00, v9  }
0x39: {  	[tilespmem:v62+s7+$0x0] =	vst.idx.msk $0xffff, v9  }
0x3a: {  	[tilespmem:v10+s7+$0x0] =	vst.idx.msk $0xffff, v11  }
0x3b: {  	v9 =	vld [tilespmem:$0x30];
	_ =	sdelay $0x4  }
0x3c: {  	v10 =	vtrunc.f32 v9  }
0x3d: {  	v10 =	vcvt.f32.s32 v10;
	_ =	sdelay $0x1  }
0x3e: {  	vm11 =	vlt.s32 v10, $0x257  }
0x3f: {  	v10 =	vnsel vm11, $0x257, v10  }
0x40: {  	v11 =	vadd.s32 $0x1, v10  }
0x41: {  	v63 =	vadd.s32 v7, v10;
	v11 =	vcvt.s32.f32 v11  }
0x42: {  	v10 =	vadd.s32 v8, v10  }
0x43: {  	v9 =	vsub.f32 v11, v9;
	_ =	sdelay $0x1  }
0x44: {  	v11 =	vsub.f32 $1.000000000e+00, v9  }
0x45: {  	[tilespmem:v63+s7+$0x0] =	vst.idx.msk $0xffff, v9  }
0x46: {  	[tilespmem:v10+s7+$0x0] =	vst.idx.msk $0xffff, v11  }
0x47: {  	[hbm4b:s10+s2] =	stream.linear.scatter [tilespmem:s7], [sflag:$0x1], $0x9640, $0x38;
	[tilespmem:$0x9700] =	vst v63  }
0x48: {  	_ =	swait.ge [sflag:s6], $0x9640  }
0x49: {  	[sflag:s6] =	ssyncset.done $0x0  }
0x4a: {  	[sflag:s6] =	ssyncadd.s32 $0xFFFF69C0  }
0x4b: {  	v9 =	vld [tilespmem:$0x0];
	_ =	sdelay $0x4  }
0x4c: {  	v9 =	vtrunc.f32 v9  }
0x4d: {  	v9 =	vcvt.f32.s32 v9;
	_ =	sdelay $0x1  }
0x4e: {  	vm12 =	vlt.s32 v9, $0x257  }
0x4f: {  	v9 =	vnsel vm12, $0x257, v9  }
0x50: {  	v10 =	vadd.s32 v0, v9  }
0x51: {  	v9 =	vadd.s32 v2, v9;
	_ =	sdelay $0x3  }
0x52: {  	[tilespmem:v10+s7+$0x0] =	vst.idx.msk $0xffff, v1  }
0x53: {  	[tilespmem:v9+s7+$0x0] =	vst.idx.msk $0xffff, v1  }
0x54: {  	v9 =	vld [tilespmem:$0x10];
	_ =	sdelay $0x4  }
0x55: {  	v9 =	vtrunc.f32 v9  }
0x56: {  	v9 =	vcvt.f32.s32 v9;
	_ =	sdelay $0x1  }
0x57: {  	vm13 =	vlt.s32 v9, $0x257  }
0x58: {  	v9 =	vnsel vm13, $0x257, v9  }
0x59: {  	v10 =	vadd.s32 v3, v9  }
0x5a: {  	v9 =	vadd.s32 v4, v9;
	_ =	sdelay $0x3  }
0x5b: {  	[tilespmem:v10+s7+$0x0] =	vst.idx.msk $0xffff, v1  }
0x5c: {  	[tilespmem:v9+s7+$0x0] =	vst.idx.msk $0xffff, v1  }
0x5d: {  	v9 =	vld [tilespmem:$0x20];
	_ =	sdelay $0x4  }
0x5e: {  	v9 =	vtrunc.f32 v9  }
0x5f: {  	v9 =	vcvt.f32.s32 v9;
	_ =	sdelay $0x1  }
0x60: {  	vm14 =	vlt.s32 v9, $0x257  }
0x61: {  	v9 =	vnsel vm14, $0x257, v9  }
0x62: {  	v10 =	vadd.s32 v5, v9  }
0x63: {  	v9 =	vadd.s32 v6, v9;
	_ =	sdelay $0x3  }
0x64: {  	[tilespmem:v10+s7+$0x0] =	vst.idx.msk $0xffff, v1  }
0x65: {  	[tilespmem:v9+s7+$0x0] =	vst.idx.msk $0xffff, v1  }
0x66: {  	v9 =	vld [tilespmem:$0x30];
	_ =	sdelay $0x4  }
0x67: {  	v9 =	vtrunc.f32 v9  }
0x68: {  	v9 =	vcvt.f32.s32 v9;
	_ =	sdelay $0x1  }
0x69: {  	vm15 =	vlt.s32 v9, $0x257  }
0x6a: {  	v9 =	vnsel vm15, $0x257, v9  }
0x6b: {  	v10 =	vadd.s32 v7, v9  }
0x6c: {  	p0 =	sne.s32 s9, $0x318;
	v9 =	vadd.s32 v8, v9  }
.Ltmp1:
0x6d: {  	_ = 	snop;
	(pc) =	sbr.rel @p0 .LBB2_4-.Ltmp1, $3  }
0x6e: {  	_ =	sdelay $0x1  }
0x6f: {  	[tilespmem:v10+s7+$0x0] =	vst.idx.msk $0xffff, v1  }
0x70: {  	s9 =	sadd.s32 $0x8, s9;
	s10 =	sadd.s32 $0x12C8, s10;
	[tilespmem:v9+s7+$0x0] =	vst.idx.msk $0xffff, v1  }
0x71: {  	s8 =	sadd.s32 $0x1, s8  }
0x72: {  	p0 =	sne.s32 s8, s3  }
.Ltmp2:
0x73: {  	_ = 	snop;
	(pc) =	sbr.rel @p0 .LBB2_1-.Ltmp2, $1  }
0x74: {  	_ =	sdelay $0x3  }
0x75: {  	_ =	sfence.sel $0x180000  }
0x76: {  	[bflag:$0x0] =	sbarrier.arrive $0xFFFF  }
0x77: {  	p0 =	sne.s32 s0, $0x0;
	_ =	strace $0x90000047  }
0x78: {  	s0 =	sadd.s32 @!p0 $0x100000, s1;
	[bflag:$0x2] =	sbarrier.arrive $0xFFFF  }
0x79: {  	[sflag:s0] =	ssyncadd.tile.s32 @!p0 $0x1;
	_ =	shalt  }
.Lfunc_end2:
_tile_overlayer_lowered:
.L_overlay_start_2:
0x7a: {  	(tag) =	ssettag $0x2  }
0x7b: {  	s0 =	rddreg [dreg:$0x0];
	s2 =	stileid.u32  }
0x7c: {  	s1 =	rddreg [dreg:$0x1];
	p0 =	sne.s32 s2, $0x0  }
0x7d: {  	s3 =	rddreg [dreg:$0x2];
	[bflag:$0x3] =	sbarrier.arrive $0xFFFF;
	s2 =	simm.s32 @!p0 $0x1C01  }
0x7e: {  	[timem:s3], [sflag:s2] =	dma.local @!p0 [hbm:s0], s1  }
0x7f: {  	s0 =	simm.s32 @!p0 $0x1  }
0x80: {  	_ =	swait.ge @!p0 [sflag:s0], s1  }
0x81: {  	s1 =	ssub.s32 @!p0 $0x0, s1;
	[sflag:s0] =	ssyncset.done @!p0 $0x0  }
0x82: {  	[sflag:s0] =	ssyncadd.s32 @!p0 s1  }
0x83: {  	[bflag:$0x3] =	sbarrier.arrive $0xFFFF  }
0x84: {  	_ =	shalt  }

</sc_bundles>
